<compile_context>
chip_gen: v7x
topology: tpu7x:2x2x1
jax: 0.10.2.dev20260603
libtpu: 0.0.44.dev20260713+nightly
codegen_flags: <defaults>
</compile_context>

<pallas_src>
import functools

import jax
import jax.numpy as jnp
from jax import lax
from jax.experimental import pallas as pl
from jax.experimental.pallas import tpu as pltpu
from jax.experimental.pallas import tpu_sc as plsc

HIDDEN = 128
VOCAB_BLOCK = 1000
NUM_CORES = 2
NUM_SUBCORES = 16
NUM_WORKERS = NUM_CORES * NUM_SUBCORES
CHUNK = 128


def _fold_body(w0_ref, w1_ref, embed_ref, out_ref, wt_ref):
    @pl.when(pl.program_id(0) == 0)
    def _():
        wt_ref[...] = lax.dot_general(
            w0_ref[...], w1_ref[...], (((0,), (1,)), ((), ())),
            preferred_element_type=jnp.float32,
            precision=lax.Precision.HIGHEST,
        )

    out_ref[...] = jnp.dot(
        embed_ref[...], wt_ref[...],
        preferred_element_type=jnp.float32,
        precision=lax.Precision.HIGHEST,
    )


def _fold_table(embed, w0, w1):
    vocab = embed.shape[0]
    grid = vocab // VOCAB_BLOCK
    return pl.pallas_call(
        _fold_body,
        grid=(grid,),
        in_specs=[
            pl.BlockSpec((HIDDEN, HIDDEN), lambda i: (0, 0)),
            pl.BlockSpec((HIDDEN, HIDDEN), lambda i: (0, 0)),
            pl.BlockSpec((VOCAB_BLOCK, HIDDEN), lambda i: (i, 0)),
        ],
        out_specs=pl.BlockSpec((VOCAB_BLOCK, HIDDEN), lambda i: (i, 0)),
        out_shape=jax.ShapeDtypeStruct((vocab, HIDDEN), jnp.float32),
        scratch_shapes=[pltpu.VMEM((HIDDEN, HIDDEN), jnp.float32)],
    )(w0, w1, embed)


SEQ_PAD = 56


def _make_gather(batch, seq):
    assert batch % NUM_WORKERS == 0
    b_per_w = batch // NUM_WORKERS
    n_idx_w = b_per_w * SEQ_PAD
    mesh = plsc.VectorSubcoreMesh(core_axis_name="c", subcore_axis_name="s")

    @functools.partial(
        pl.kernel,
        out_type=jax.ShapeDtypeStruct((batch, seq, HIDDEN), jnp.float32),
        mesh=mesh,
        scratch_types=[
            pltpu.VMEM((n_idx_w,), jnp.int32),
            pltpu.VMEM((seq, HIDDEN), jnp.float32),
            pltpu.VMEM((seq, HIDDEN), jnp.float32),
            pltpu.SemaphoreType.DMA,
            pltpu.SemaphoreType.DMA,
        ],
        compiler_params=pltpu.CompilerParams(use_tc_tiling_on_sc=True),
    )
    def gather(table_hbm, idx_hbm, out_hbm, idx_v, buf0, buf1, sem0, sem1):
        wid = lax.axis_index("s") * NUM_CORES + lax.axis_index("c")
        base_b = wid * b_per_w
        pltpu.sync_copy(idx_hbm.at[pl.ds(base_b * SEQ_PAD, n_idx_w)], idx_v)

        def g(j, buf, sem):
            return pltpu.make_async_copy(
                table_hbm.at[idx_v.at[pl.ds(j * SEQ_PAD, seq)]], buf, sem
            )

        g(0, buf0, sem0).start()

        def batch_body(j2, carry):
            j = 2 * j2
            g(j + 1, buf1, sem1).start()
            g(j, buf0, sem0).wait()
            pltpu.sync_copy(buf0, out_hbm.at[base_b + j])

            @pl.when(j + 2 < b_per_w)
            def _():
                g(j + 2, buf0, sem0).start()

            g(j + 1, buf1, sem1).wait()
            pltpu.sync_copy(buf1, out_hbm.at[base_b + j + 1])
            return carry

        lax.fori_loop(0, b_per_w // 2, batch_body, 0)

    return gather


def kernel(input_ids, embed, W0, W1):
    table2 = _fold_table(embed, W0, W1)
    batch, seq = input_ids.shape
    ids = jnp.pad(input_ids.astype(jnp.int32), ((0, 0), (0, SEQ_PAD - seq)))
    out = _make_gather(batch, seq)(table2, ids.reshape(-1))
    return out

# --- scband reference (transcript-rebuilt; emitter-appended) ---
"""Pipeline reference for scband-tiny-student-34866544508940 (READ-ONLY COPY).

The authoritative reference and input builder live on the scoring server;
editing this copy changes nothing except your own understanding.
"""

import jax, jax.numpy as jnp
import numpy as np

VOCAB = 100000
HIDDEN = 128
N_LAYERS = 2
BATCH = 4096
SEQ = 50


def setup_inputs(seed: int = 0) -> dict:
    key = jax.random.key(seed)
    k_ids, k_emb, k_w0, k_w1 = jax.random.split(key, 4)
    input_ids = jax.random.randint(k_ids, (BATCH, SEQ), 0, VOCAB, dtype=jnp.int64 if jax.config.jax_enable_x64 else jnp.int32)
    embed = jax.random.normal(k_emb, (VOCAB, HIDDEN), dtype=jnp.float32) * 0.02
    W0 = jax.random.normal(k_w0, (HIDDEN, HIDDEN), dtype=jnp.float32) * 0.02
    W1 = jax.random.normal(k_w1, (HIDDEN, HIDDEN), dtype=jnp.float32) * 0.02
    return {"input_ids": input_ids, "embed": embed, "W0": W0, "W1": W1}


def reference(input_ids, embed, W0, W1):
    # nn.Embedding lookup -> SparseCore-friendly gather
    x = jnp.take(embed, input_ids, axis=0)
    # nn.Linear(hidden, hidden, bias=False): y = x @ W.T, applied per layer
    x = x @ W0.T
    x = x @ W1.T
    return x

if __name__ == "__main__":
    import jax
    _d = setup_inputs()
    print(jax.jit(kernel)(*tuple(_d.values())))

</pallas_src>

<mosaic_0001>
#map = affine_map<(d0, d1) -> (0, 0)>
#map1 = affine_map<(d0, d1) -> (0)>
#map2 = affine_map<(d0, d1) -> (0, 0, 0)>
module attributes {stable_mosaic.version = 14 : i64} {
  func.func @gather(%arg0: i32, %arg1: i32, %arg2: memref<100000x128xf32, #tpu.memory_space<hbm>>, %arg3: memref<229376xi32, #tpu.memory_space<hbm>>, %arg4: memref<4096x50x128xf32, #tpu.memory_space<hbm>>, %arg5: memref<7168xi32, #tpu.memory_space<vmem>>, %arg6: memref<50x128xf32, #tpu.memory_space<vmem>>, %arg7: memref<50x128xf32, #tpu.memory_space<vmem>>, %arg8: memref<!tpu.dma_semaphore, #tpu.memory_space<semaphore_mem>>, %arg9: memref<!tpu.dma_semaphore, #tpu.memory_space<semaphore_mem>>) attributes {dimension_semantics = [#tpu.dimension_semantics<core_parallel>, #tpu.dimension_semantics<subcore_parallel>], iteration_bounds = array<i64: 2, 16>, scalar_prefetch = 0 : i64, scratch_operands = 5 : i64, tpu.core_type = #tpu.core_type<sc_vector_subcore>, window_params = [{transform_indices = #map}, {transform_indices = #map1}, {transform_indices = #map2}]} {
    %mul3A = arith.constant 2 : i32
    %mul3A_0 = arith.muli %arg1, %mul3A : i32
    %add3A = arith.addi %mul3A_0, %arg0 : i32
    %mul3A_1 = arith.constant 128 : i32
    %mul3A_2 = arith.muli %add3A, %mul3A_1 : i32
    %mul3A_3 = arith.constant 56 : i32
    %mul3A_4 = arith.muli %mul3A_2, %mul3A_3 : i32
    "tpu.region"() ({
      %run_scoped3A = tpu.sem_alloc : memref<!tpu.dma_semaphore, #tpu.memory_space<semaphore_mem>>
      %dma_start3A_14 = tpu.memref_slice %arg3[%mul3A_4] : memref<229376xi32, #tpu.memory_space<hbm>> -> memref<7168xi32, #tpu.memory_space<hbm>>
      %dma_start3A_15 = tpu.memref_slice %arg3[%mul3A_4] : memref<229376xi32, #tpu.memory_space<hbm>> -> memref<7168xi32, #tpu.memory_space<hbm>>
      tpu.enqueue_dma source(%dma_start3A_15 : memref<7168xi32, #tpu.memory_space<hbm>>) target(%arg5 : memref<7168xi32, #tpu.memory_space<vmem>>) target_semaphore(%run_scoped3A : memref<!tpu.dma_semaphore, #tpu.memory_space<semaphore_mem>>)
      %dma_wait3A = tpu.memref_slice %arg3[%mul3A_4] : memref<229376xi32, #tpu.memory_space<hbm>> -> memref<7168xi32, #tpu.memory_space<hbm>>
      %dma_wait3A_16 = tpu.memref_slice %arg3[%mul3A_4] : memref<229376xi32, #tpu.memory_space<hbm>> -> memref<7168xi32, #tpu.memory_space<hbm>>
      tpu.wait_dma2 semaphore(%run_scoped3A : memref<!tpu.dma_semaphore, #tpu.memory_space<semaphore_mem>>) src(%dma_wait3A_16 : memref<7168xi32, #tpu.memory_space<hbm>>) dst(%arg5 : memref<7168xi32, #tpu.memory_space<vmem>>)
      tpu.yield
    }) : () -> ()
    %dma_start3A = arith.constant 0 : i32
    %dma_start3A_5 = tpu.memref_slice %arg5[%dma_start3A] : memref<7168xi32, #tpu.memory_space<vmem>> -> memref<50xi32, #tpu.memory_space<vmem>>
    %dma_start3A_6 = arith.constant 0 : i32
    %dma_start3A_7 = arith.constant 0 : i32
    %dma_start3A_8 = tpu.memref_slice %arg2[%dma_start3A_6, %dma_start3A_7] : memref<100000x128xf32, #tpu.memory_space<hbm>> -> memref<100000x128xf32, #tpu.memory_space<hbm>>
    tpu.enqueue_indirect_dma source(%dma_start3A_8 : memref<100000x128xf32, #tpu.memory_space<hbm>>) target(%arg6 : memref<50x128xf32, #tpu.memory_space<vmem>>) offsets(%dma_start3A_5 : memref<50xi32, #tpu.memory_space<vmem>>) semaphore(%arg8 : memref<!tpu.dma_semaphore, #tpu.memory_space<semaphore_mem>>)
    %scan3A = arith.constant 0 : i32
    %scan3A_9 = arith.constant 0 : i32
    %scan3A_10 = arith.constant 64 : i32
    %scan3A_11 = arith.addi %scan3A_9, %scan3A_10 : i32
    %scan3A_12 = arith.constant 1 : i32
    scf.for %scan3A_14 = %scan3A_9 to %scan3A_11 step %scan3A_12  : i32 {
      %mul3A_15 = arith.constant 2 : i32
      %mul3A_16 = arith.muli %mul3A_15, %scan3A_14 : i32
      %add3A_17 = arith.constant 1 : i32
      %add3A_18 = arith.addi %mul3A_16, %add3A_17 : i32
      %mul3A_19 = arith.constant 56 : i32
      %mul3A_20 = arith.muli %add3A_18, %mul3A_19 : i32
      %dma_start3A_21 = tpu.memref_slice %arg5[%mul3A_20] : memref<7168xi32, #tpu.memory_space<vmem>> -> memref<50xi32, #tpu.memory_space<vmem>>
      %dma_start3A_22 = arith.constant 0 : i32
      %dma_start3A_23 = arith.constant 0 : i32
      %dma_start3A_24 = tpu.memref_slice %arg2[%dma_start3A_22, %dma_start3A_23] : memref<100000x128xf32, #tpu.memory_space<hbm>> -> memref<100000x128xf32, #tpu.memory_space<hbm>>
      tpu.enqueue_indirect_dma source(%dma_start3A_24 : memref<100000x128xf32, #tpu.memory_space<hbm>>) target(%arg7 : memref<50x128xf32, #tpu.memory_space<vmem>>) offsets(%dma_start3A_21 : memref<50xi32, #tpu.memory_space<vmem>>) semaphore(%arg9 : memref<!tpu.dma_semaphore, #tpu.memory_space<semaphore_mem>>)
      %mul3A_25 = arith.constant 56 : i32
      %mul3A_26 = arith.muli %mul3A_16, %mul3A_25 : i32
      %dma_wait3A = tpu.memref_slice %arg5[%mul3A_26] : memref<7168xi32, #tpu.memory_space<vmem>> -> memref<50xi32, #tpu.memory_space<vmem>>
      %dma_wait3A_27 = arith.constant 0 : i32
      %dma_wait3A_28 = arith.constant 0 : i32
      %dma_wait3A_29 = tpu.memref_slice %arg2[%dma_wait3A_27, %dma_wait3A_28] : memref<100000x128xf32, #tpu.memory_space<hbm>> -> memref<100000x128xf32, #tpu.memory_space<hbm>>
      tpu.wait_indirect_dma semaphore(%arg8 : memref<!tpu.dma_semaphore, #tpu.memory_space<semaphore_mem>>) src(%dma_wait3A_29 : memref<100000x128xf32, #tpu.memory_space<hbm>>) dst(%arg6 : memref<50x128xf32, #tpu.memory_space<vmem>>)
      %add3A_30 = arith.addi %mul3A_2, %mul3A_16 : i32
      "tpu.region"() ({
        %run_scoped3A = tpu.sem_alloc : memref<!tpu.dma_semaphore, #tpu.memory_space<semaphore_mem>>
        %dma_start3A_46 = arith.constant 0 : i32
        %dma_start3A_47 = arith.constant 0 : i32
        %dma_start3A_48 = tpu.memref_slice %arg4[%add3A_30, %dma_start3A_46, %dma_start3A_47] : memref<4096x50x128xf32, #tpu.memory_space<hbm>> -> memref<1x50x128xf32, #tpu.memory_space<hbm>>
        %dma_start3A_49 = tpu.memref_squeeze %dma_start3A_48 : memref<1x50x128xf32, #tpu.memory_space<hbm>> -> memref<50x128xf32, #tpu.memory_space<hbm>>
        %dma_start3A_50 = arith.constant 0 : i32
        %dma_start3A_51 = arith.constant 0 : i32
        %dma_start3A_52 = tpu.memref_slice %arg4[%add3A_30, %dma_start3A_50, %dma_start3A_51] : memref<4096x50x128xf32, #tpu.memory_space<hbm>> -> memref<1x50x128xf32, #tpu.memory_space<hbm>>
        %dma_start3A_53 = tpu.memref_squeeze %dma_start3A_52 : memref<1x50x128xf32, #tpu.memory_space<hbm>> -> memref<50x128xf32, #tpu.memory_space<hbm>>
        tpu.enqueue_dma source(%arg6 : memref<50x128xf32, #tpu.memory_space<vmem>>) target(%dma_start3A_53 : memref<50x128xf32, #tpu.memory_space<hbm>>) target_semaphore(%run_scoped3A : memref<!tpu.dma_semaphore, #tpu.memory_space<semaphore_mem>>)
        %dma_wait3A_54 = arith.constant 0 : i32
        %dma_wait3A_55 = arith.constant 0 : i32
        %dma_wait3A_56 = tpu.memref_slice %arg4[%add3A_30, %dma_wait3A_54, %dma_wait3A_55] : memref<4096x50x128xf32, #tpu.memory_space<hbm>> -> memref<1x50x128xf32, #tpu.memory_space<hbm>>
        %dma_wait3A_57 = tpu.memref_squeeze %dma_wait3A_56 : memref<1x50x128xf32, #tpu.memory_space<hbm>> -> memref<50x128xf32, #tpu.memory_space<hbm>>
        %dma_wait3A_58 = arith.constant 0 : i32
        %dma_wait3A_59 = arith.constant 0 : i32
        %dma_wait3A_60 = tpu.memref_slice %arg4[%add3A_30, %dma_wait3A_58, %dma_wait3A_59] : memref<4096x50x128xf32, #tpu.memory_space<hbm>> -> memref<1x50x128xf32, #tpu.memory_space<hbm>>
        %dma_wait3A_61 = tpu.memref_squeeze %dma_wait3A_60 : memref<1x50x128xf32, #tpu.memory_space<hbm>> -> memref<50x128xf32, #tpu.memory_space<hbm>>
        tpu.wait_dma2 semaphore(%run_scoped3A : memref<!tpu.dma_semaphore, #tpu.memory_space<semaphore_mem>>) src(%arg6 : memref<50x128xf32, #tpu.memory_space<vmem>>) dst(%dma_wait3A_61 : memref<50x128xf32, #tpu.memory_space<hbm>>)
        tpu.yield
      }) : () -> ()
      %add3A_31 = arith.constant 2 : i32
      %add3A_32 = arith.addi %mul3A_16, %add3A_31 : i32
      %lt3A = arith.constant 128 : i32
      %lt3A_33 = arith.cmpi slt, %add3A_32, %lt3A : i32
      %convert_element_type3A = arith.extui %lt3A_33 : i1 to i32
      %cond3A = arith.constant 0 : i32
      %cond3A_34 = arith.cmpi ne, %convert_element_type3A, %cond3A : i32
      scf.if %cond3A_34 {
        %add3A_46 = arith.constant 2 : i32
        %add3A_47 = arith.addi %mul3A_16, %add3A_46 : i32
        %mul3A_48 = arith.constant 56 : i32
        %mul3A_49 = arith.muli %add3A_47, %mul3A_48 : i32
        %dma_start3A_50 = tpu.memref_slice %arg5[%mul3A_49] : memref<7168xi32, #tpu.memory_space<vmem>> -> memref<50xi32, #tpu.memory_space<vmem>>
        %dma_start3A_51 = arith.constant 0 : i32
        %dma_start3A_52 = arith.constant 0 : i32
        %dma_start3A_53 = tpu.memref_slice %arg2[%dma_start3A_51, %dma_start3A_52] : memref<100000x128xf32, #tpu.memory_space<hbm>> -> memref<100000x128xf32, #tpu.memory_space<hbm>>
        tpu.enqueue_indirect_dma source(%dma_start3A_53 : memref<100000x128xf32, #tpu.memory_space<hbm>>) target(%arg6 : memref<50x128xf32, #tpu.memory_space<vmem>>) offsets(%dma_start3A_50 : memref<50xi32, #tpu.memory_space<vmem>>) semaphore(%arg8 : memref<!tpu.dma_semaphore, #tpu.memory_space<semaphore_mem>>)
      } else {
      }
      %add3A_35 = arith.constant 1 : i32
      %add3A_36 = arith.addi %mul3A_16, %add3A_35 : i32
      %mul3A_37 = arith.constant 56 : i32
      %mul3A_38 = arith.muli %add3A_36, %mul3A_37 : i32
      %dma_wait3A_39 = tpu.memref_slice %arg5[%mul3A_38] : memref<7168xi32, #tpu.memory_space<vmem>> -> memref<50xi32, #tpu.memory_space<vmem>>
      %dma_wait3A_40 = arith.constant 0 : i32
      %dma_wait3A_41 = arith.constant 0 : i32
      %dma_wait3A_42 = tpu.memref_slice %arg2[%dma_wait3A_40, %dma_wait3A_41] : memref<100000x128xf32, #tpu.memory_space<hbm>> -> memref<100000x128xf32, #tpu.memory_space<hbm>>
      tpu.wait_indirect_dma semaphore(%arg9 : memref<!tpu.dma_semaphore, #tpu.memory_space<semaphore_mem>>) src(%dma_wait3A_42 : memref<100000x128xf32, #tpu.memory_space<hbm>>) dst(%arg7 : memref<50x128xf32, #tpu.memory_space<vmem>>)
      %add3A_43 = arith.addi %mul3A_2, %mul3A_16 : i32
      %add3A_44 = arith.constant 1 : i32
      %add3A_45 = arith.addi %add3A_43, %add3A_44 : i32
      "tpu.region"() ({
        %run_scoped3A = tpu.sem_alloc : memref<!tpu.dma_semaphore, #tpu.memory_space<semaphore_mem>>
        %dma_start3A_46 = arith.constant 0 : i32
        %dma_start3A_47 = arith.constant 0 : i32
        %dma_start3A_48 = tpu.memref_slice %arg4[%add3A_45, %dma_start3A_46, %dma_start3A_47] : memref<4096x50x128xf32, #tpu.memory_space<hbm>> -> memref<1x50x128xf32, #tpu.memory_space<hbm>>
        %dma_start3A_49 = tpu.memref_squeeze %dma_start3A_48 : memref<1x50x128xf32, #tpu.memory_space<hbm>> -> memref<50x128xf32, #tpu.memory_space<hbm>>
        %dma_start3A_50 = arith.constant 0 : i32
        %dma_start3A_51 = arith.constant 0 : i32
        %dma_start3A_52 = tpu.memref_slice %arg4[%add3A_45, %dma_start3A_50, %dma_start3A_51] : memref<4096x50x128xf32, #tpu.memory_space<hbm>> -> memref<1x50x128xf32, #tpu.memory_space<hbm>>
        %dma_start3A_53 = tpu.memref_squeeze %dma_start3A_52 : memref<1x50x128xf32, #tpu.memory_space<hbm>> -> memref<50x128xf32, #tpu.memory_space<hbm>>
        tpu.enqueue_dma source(%arg7 : memref<50x128xf32, #tpu.memory_space<vmem>>) target(%dma_start3A_53 : memref<50x128xf32, #tpu.memory_space<hbm>>) target_semaphore(%run_scoped3A : memref<!tpu.dma_semaphore, #tpu.memory_space<semaphore_mem>>)
        %dma_wait3A_54 = arith.constant 0 : i32
        %dma_wait3A_55 = arith.constant 0 : i32
        %dma_wait3A_56 = tpu.memref_slice %arg4[%add3A_45, %dma_wait3A_54, %dma_wait3A_55] : memref<4096x50x128xf32, #tpu.memory_space<hbm>> -> memref<1x50x128xf32, #tpu.memory_space<hbm>>
        %dma_wait3A_57 = tpu.memref_squeeze %dma_wait3A_56 : memref<1x50x128xf32, #tpu.memory_space<hbm>> -> memref<50x128xf32, #tpu.memory_space<hbm>>
        %dma_wait3A_58 = arith.constant 0 : i32
        %dma_wait3A_59 = arith.constant 0 : i32
        %dma_wait3A_60 = tpu.memref_slice %arg4[%add3A_45, %dma_wait3A_58, %dma_wait3A_59] : memref<4096x50x128xf32, #tpu.memory_space<hbm>> -> memref<1x50x128xf32, #tpu.memory_space<hbm>>
        %dma_wait3A_61 = tpu.memref_squeeze %dma_wait3A_60 : memref<1x50x128xf32, #tpu.memory_space<hbm>> -> memref<50x128xf32, #tpu.memory_space<hbm>>
        tpu.wait_dma2 semaphore(%run_scoped3A : memref<!tpu.dma_semaphore, #tpu.memory_space<semaphore_mem>>) src(%arg7 : memref<50x128xf32, #tpu.memory_space<vmem>>) dst(%dma_wait3A_61 : memref<50x128xf32, #tpu.memory_space<hbm>>)
        tpu.yield
      }) : () -> ()
    }
    %scan3A_13 = arith.constant 64 : i32
    return
  }
}

module attributes {stable_mosaic.version = 14 : i64} {
  func.func @_fold_body(%arg0: i32, %arg1: memref<128x128xf32, #tpu.memory_space<vmem>>, %arg2: memref<128x128xf32, #tpu.memory_space<vmem>>, %arg3: memref<1000x128xf32, #tpu.memory_space<vmem>>, %arg4: memref<1000x128xf32, #tpu.memory_space<vmem>>, %arg5: memref<128x128xf32, #tpu.memory_space<vmem>>) attributes {dimension_semantics = [#tpu.dimension_semantics<arbitrary>], iteration_bounds = array<i64: 100>, scalar_prefetch = 0 : i64, scratch_operands = 1 : i64, tpu.core_type = #tpu.core_type<tc>, window_params = [{pipeline_mode = #tpu.pipeline_mode<synchronous>, transform_indices = @transform_0, window_bounds = array<i64: 128, 128>}, {pipeline_mode = #tpu.pipeline_mode<synchronous>, transform_indices = @transform_1, window_bounds = array<i64: 128, 128>}, {transform_indices = @transform_2, window_bounds = array<i64: 1000, 128>}, {transform_indices = @transform_3, window_bounds = array<i64: 1000, 128>}]} {
    %eq3A = arith.constant 0 : i32
    %eq3A_0 = arith.cmpi eq, %arg0, %eq3A : i32
    %convert_element_type3A = arith.extui %eq3A_0 : i1 to i32
    %cond3A = arith.constant 0 : i32
    %cond3A_1 = arith.cmpi ne, %convert_element_type3A, %cond3A : i32
    scf.if %cond3A_1 {
      %get3A_10 = arith.constant 0 : index
      %get3A_11 = arith.constant 0 : index
      %get3A_12 = vector.load %arg1[%get3A_10, %get3A_11] : memref<128x128xf32, #tpu.memory_space<vmem>>, vector<128x128xf32>
      %get3A_13 = arith.constant 0 : index
      %get3A_14 = arith.constant 0 : index
      %get3A_15 = vector.load %arg2[%get3A_13, %get3A_14] : memref<128x128xf32, #tpu.memory_space<vmem>>, vector<128x128xf32>
      %dot_general3A_16 = arith.constant dense<0.000000e+00> : vector<128x128xf32>
      %dot_general3A_17 = tpu.matmul %get3A_12, %get3A_15, %dot_general3A_16 {dimension_numbers = #tpu.dot_dimension_numbers<[0], [1], [1], [0], [0, 1, 1, 0], [], []>, precision = #tpu.contract_precision<fp32>, transpose_lhs_hint = false} : vector<128x128xf32>, vector<128x128xf32>, vector<128x128xf32> -> vector<128x128xf32>
      %swap3A_18 = arith.constant 0 : index
      %swap3A_19 = arith.constant 0 : index
      %swap3A_20 = vector.load %arg5[%swap3A_18, %swap3A_19] : memref<128x128xf32, #tpu.memory_space<vmem>>, vector<128x128xf32>
      tpu.vector_store %arg5[%swap3A_18, %swap3A_19], %dot_general3A_17 {strides = array<i32>} : memref<128x128xf32, #tpu.memory_space<vmem>>, vector<128x128xf32>,
    } else {
    }
    %get3A = arith.constant 0 : index
    %get3A_2 = arith.constant 0 : index
    %get3A_3 = vector.load %arg3[%get3A, %get3A_2] : memref<1000x128xf32, #tpu.memory_space<vmem>>, vector<1000x128xf32>
    %get3A_4 = arith.constant 0 : index
    %get3A_5 = arith.constant 0 : index
    %get3A_6 = vector.load %arg5[%get3A_4, %get3A_5] : memref<128x128xf32, #tpu.memory_space<vmem>>, vector<128x128xf32>
    %dot_general3A = arith.constant dense<0.000000e+00> : vector<1000x128xf32>
    %dot_general3A_7 = tpu.matmul %get3A_3, %get3A_6, %dot_general3A {dimension_numbers = #tpu.dot_dimension_numbers<[1], [0], [0], [1], [0, 0, 1, 1], [], []>, precision = #tpu.contract_precision<fp32>, transpose_lhs_hint = false} : vector<1000x128xf32>, vector<128x128xf32>, vector<1000x128xf32> -> vector<1000x128xf32>
    %swap3A = arith.constant 0 : index
    %swap3A_8 = arith.constant 0 : index
    %swap3A_9 = vector.load %arg4[%swap3A, %swap3A_8] : memref<1000x128xf32, #tpu.memory_space<vmem>>, vector<1000x128xf32>
    tpu.vector_store %arg4[%swap3A, %swap3A_8], %dot_general3A_7 {strides = array<i32>} : memref<1000x128xf32, #tpu.memory_space<vmem>>, vector<1000x128xf32>,
    return
  }
  func.func @transform_0(%arg0: i32) -> (i32, i32) {
    %c0_i32 = arith.constant 0 : i32
    %c0_i32_0 = arith.constant 0 : i32
    %c0_i32_1 = arith.constant 0 : i32
    return %c0_i32, %c0_i32_0 : i32, i32
  }
  func.func @transform_1(%arg0: i32) -> (i32, i32) {
    %c0_i32 = arith.constant 0 : i32
    %c0_i32_0 = arith.constant 0 : i32
    %c0_i32_1 = arith.constant 0 : i32
    return %c0_i32, %c0_i32_0 : i32, i32
  }
  func.func @transform_2(%arg0: i32) -> (i32, i32) {
    %c0_i32 = arith.constant 0 : i32
    %c0_i32_0 = arith.constant 0 : i32
    return %arg0, %c0_i32 : i32, i32
  }
  func.func @transform_3(%arg0: i32) -> (i32, i32) {
    %c0_i32 = arith.constant 0 : i32
    %c0_i32_0 = arith.constant 0 : i32
    return %arg0, %c0_i32 : i32, i32
  }
}

</mosaic_0001>

<sc_bundles>
// kernel: kernel.4.cloned.1.call-start
scs
__scs_entry_jumppad:
0x0: {  	(pc) =	sbr.rel $0x88, $3  }
0x1: {  	(tag) =	ssettag $0x0;
	lr =	simm.s32 $0x1  }
0x2: {  	[smem:$0x3F9D] =	sst lr;
	_ =	strace $0xD0000000  }
0x3: {  	_ = 	snop  }
0x4: {  	_ = 	snop  }
0x5: {  	_ = 	snop  }
0x6: {  	_ = 	snop  }
0x7: {  	_ = 	snop  }
__scs_overlays_trampoline_lowered:
0x8: {  	[smem:$0x3FAC] =	sst s0  }
0x9: {  	[smem:$0x3FAD] =	sst s1  }
0xa: {  	[smem:$0x3FAE] =	sst s2  }
0xb: {  	[smem:$0x3FAF] =	sst s3  }
0xc: {  	[smem:$0x3FB0] =	sst s4  }
0xd: {  	[smem:$0x3FB1] =	sst s5  }
0xe: {  	[smem:$0x3FB2] =	sst s6  }
0xf: {  	[smem:$0x3FB3] =	sst s7  }
0x10: {  	[smem:$0x3FB4] =	sst s8  }
0x11: {  	[smem:$0x3FB5] =	sst s9;
	s0 =	simm.s32 @!p0 $0x0  }
0x12: {  	s1 =	sld [smem:$0x3F9B];
	s0 =	simm.s32 @p0 $0x1  }
0x13: {  	[smem:$0x3FB6] =	sst s0;
	s0 =	simm.s32 @!p1 $0x0  }
0x14: {  	s2 =	sld [smem:$0x3F9A];
	s0 =	simm.s32 @p1 $0x1  }
0x15: {  	[smem:$0x3FB7] =	sst s0;
	s0 =	simm.s32 @!p2 $0x0  }
0x16: {  	s3 =	sld [smem:$0x3FDB];
	s0 =	simm.s32 @p2 $0x1  }
0x17: {  	s4 =	simm.s32 $0x1BF5;
	[smem:$0x3FB9] =	sst s0  }
0x18: {  	s0 =	sld [smem:$0x3F9C];
	_ =	swait.ge [sflag:s4], $0x0  }
0x19: {  	s7 =	sld [smem:$0x3F9D]  }
0x1a: {  	s8 =	sadd.s32 $0xFFFFE003, lr  }
0x1b: {  	s9 =	sadd.s32 $0xFFFFFEF7, lr;
	s5 =	simm.s32 $0xFFFFFFFF;
	p2 =	slt.u32 s8, $0xFFFFF086  }
0x1c: {  	p1 =	slt.u32 s9, $0xF7A;
	s5 =	simm.s32 @!p2 $0x0  }
0x1d: {  	s5 =	simm.s32 @p1 $0x1;
	p0 =	seq.s32 s7, s2  }
0x1e: {  	s7 =	smul.u32 @!p0 $0xF7A, s2;
	p2 =	seq.s32 @!p0 s5, $0x0  }
0x1f: {  	s9 =	smul.u32 $0xF7A, s1;
	s8 =	simm.s32 @!p0 $0x1BF5;
	p2 =	por !p2, p0  }
0x20: {  	[sflag:s8] =	ssyncset.s32 @!p0 $0xFFFFF086;
	s6 =	sadd.s32 @!p0 s3, s7;
	s7 =	simm.s32 @!p0 $0x108  }
0x21: {  	s3 =	sadd.s32 s3, s9;
	s6 =	sadd.s32 @!p0 $0x88, s6;
	s7 =	simm.s32 @p2 $0x1082  }
0x22: {  	[simem:s7], [sflag:s8] =	dma.local @!p0 [hbm:s6], $0xF7A  }
0x23: {  	s9 =	sor.u32 $0xD0000000, s2;
	s6 =	simm.s32 $0x108;
	_ =	swait.ge @!p0 [sflag:s8], $0x0  }
0x24: {  	s3 =	sadd.s32 $0x88, s3;
	s6 =	simm.s32 @!p1 $0x1082;
	[sflag:s4] =	ssyncset.s32 $0xFFFFF086  }
0x25: {  	[simem:s6], [sflag:s4] =	dma.local [hbm:s3], $0xF7A  }
0x26: {  	[smem:$0x3F9D] =	sst s1;
	(tag) =	ssettag s2;
	_ =	strace s9  }
0x27: {  	s1 =	sld [smem:$0x3FAD]  }
0x28: {  	s2 =	sld [smem:$0x3FAE]  }
0x29: {  	s4 =	sld [smem:$0x3FB0]  }
0x2a: {  	p0 =	seq.s32 s5, $0x0;
	s5 =	sld [smem:$0x3FB1]  }
0x2b: {  	s6 =	sld [smem:$0x3FB2]  }
0x2c: {  	s7 =	sld [smem:$0x3FB3]  }
0x2d: {  	s3 =	simm.s32 $0x108;
	s8 =	sld [smem:$0x3FB4]  }
0x2e: {  	s3 =	simm.s32 @!p0 $0x1082;
	s9 =	sld [smem:$0x3FB5]  }
0x2f: {  	lr =	sadd.s32 s0, s3;
	s0 =	sld [smem:$0x3FAC]  }
0x30: {  	s3 =	sld [smem:$0x3FAF]  }
0x31: {  	[smem:$0x3FB8] =	sst s10  }
0x32: {  	s10 =	sld [smem:$0x3FB6];
	_ =	sdelay $0x3  }
0x33: {  	p0 =	seq.s32 s10, $0x1;
	s10 =	sld [smem:$0x3FB8];
	_ =	sdelay $0x3  }
0x34: {  	[smem:$0x3FB8] =	sst s10  }
0x35: {  	s10 =	sld [smem:$0x3FB7];
	_ =	sdelay $0x3  }
0x36: {  	p1 =	seq.s32 s10, $0x1;
	s10 =	sld [smem:$0x3FB8];
	_ =	sdelay $0x3  }
0x37: {  	[smem:$0x3FB8] =	sst s10  }
0x38: {  	s10 =	sld [smem:$0x3FB9]  }
0x39: {  	_ = 	snop;
	(pc) =	sbr.ind lr, $3  }
0x3a: {  	_ = 	snop  }
0x3b: {  	_ = 	snop  }
0x3c: {  	p2 =	seq.s32 s10, $0x1;
	s10 =	sld [smem:$0x3FB8]  }
0x3d: {  	_ =	shalt  }
0x3e: {  	_ =	shalt  }
0x3f: {  	_ =	shalt  }
0x40: {  	_ =	shalt  }
0x41: {  	_ =	shalt  }
0x42: {  	_ =	shalt  }
0x43: {  	_ =	shalt  }
0x44: {  	_ =	shalt  }
0x45: {  	_ =	shalt  }
0x46: {  	_ =	shalt  }
0x47: {  	_ =	shalt  }
0x48: {  	_ =	shalt  }
0x49: {  	_ =	shalt  }
0x4a: {  	_ =	shalt  }
0x4b: {  	_ =	shalt  }
0x4c: {  	_ =	shalt  }
0x4d: {  	_ =	shalt  }
0x4e: {  	_ =	shalt  }
0x4f: {  	_ =	shalt  }
0x50: {  	_ =	shalt  }
0x51: {  	_ =	shalt  }
0x52: {  	_ =	shalt  }
0x53: {  	_ =	shalt  }
0x54: {  	_ =	shalt  }
0x55: {  	_ =	shalt  }
0x56: {  	_ =	shalt  }
0x57: {  	_ =	shalt  }
0x58: {  	_ =	shalt  }
0x59: {  	_ =	shalt  }
0x5a: {  	_ =	shalt  }
0x5b: {  	_ =	shalt  }
0x5c: {  	_ =	shalt  }
0x5d: {  	_ =	shalt  }
0x5e: {  	_ =	shalt  }
0x5f: {  	_ =	shalt  }
0x60: {  	_ =	shalt  }
0x61: {  	_ =	shalt  }
0x62: {  	_ =	shalt  }
0x63: {  	_ =	shalt  }
0x64: {  	_ =	shalt  }
0x65: {  	_ =	shalt  }
0x66: {  	_ =	shalt  }
0x67: {  	_ =	shalt  }
0x68: {  	_ =	shalt  }
0x69: {  	_ =	shalt  }
0x6a: {  	_ =	shalt  }
0x6b: {  	_ =	shalt  }
0x6c: {  	_ =	shalt  }
0x6d: {  	_ =	shalt  }
0x6e: {  	_ =	shalt  }
0x6f: {  	_ =	shalt  }
0x70: {  	_ =	shalt  }
0x71: {  	_ =	shalt  }
0x72: {  	_ =	shalt  }
0x73: {  	_ =	shalt  }
0x74: {  	_ =	shalt  }
0x75: {  	_ =	shalt  }
0x76: {  	_ =	shalt  }
0x77: {  	_ =	shalt  }
0x78: {  	_ =	shalt  }
0x79: {  	_ =	shalt  }
0x7a: {  	_ =	shalt  }
0x7b: {  	_ =	shalt  }
0x7c: {  	_ =	shalt  }
0x7d: {  	_ =	shalt  }
0x7e: {  	_ =	shalt  }
0x7f: {  	_ =	shalt  }
0x80: {  	_ =	shalt  }
0x81: {  	_ =	shalt  }
0x82: {  	_ =	shalt  }
0x83: {  	_ =	shalt  }
0x84: {  	_ =	shalt  }
0x85: {  	_ =	shalt  }
0x86: {  	_ =	shalt  }
0x87: {  	_ =	shalt  }
.Lfunc_end0:
.L_simem_size_0:
called_computation_lowered:
.L_overlay_start_0:
0x88: {  	s2 =	sld [smem:$0x3FD9]  }
0x89: {  	s3 =	sld [smem:$0x3FFE];
	_ =	sdelay $0x1  }
0x8a: {  	s1 =	srdreg.scid  }
0x8b: {  	s0 =	sand.u32 $0x1, s1  }
0x8c: {  	s17 =	sshll.u32 s0, $0xA;
	s2 =	sadd.s32 s3, s2  }
0x8d: {  	s2 =	sadd.s32 s2, s17  }
0x8e: {  	[smem:$0x3FC4] =	sst s2  }
0x8f: {  	_ = 	snop  }
0x90: {  	s2 =	sld [smem:$0x3FD0];
	(tm) =	ssettm $0x1  }
0x91: {  	s18 =	sld [smem:$0x3FFB];
	_ =	sdelay $0x3  }
0x92: {  	_ =	strace s18  }
0x93: {  	s3 =	sld [smem:$0x3FFC];
	_ =	sdelay $0x3  }
0x94: {  	_ =	strace s3  }
0x95: {  	s3 =	sld [smem:$0x3FFD];
	_ =	sdelay $0x3  }
0x96: {  	_ =	strace s3  }
0x97: {  	_ =	strace $0x8FFFFFFF  }
0x98: {  	s19 =	sld [smem:$0x3FDB];
	_ =	sdelay $0x1  }
0x99: {  	s4 =	simm.s32 $_scs_section_size  }
0x9a: {  	s5 =	simm.s32 $_size__tile_overlayer_lowered;
	s6 =	simm.s32 $_tile_overlayer_lowered  }
0x9b: {  	s22 =	simm.s32 $0x1BFF;
	s21 =	sshll.u32 s6, $0x1;
	s3 =	sadd.s32 s4, s19  }
0x9c: {  	s7 =	simm.s32 $0x0;
	s20 =	sshll.u32 s5, $0x1;
	s5 =	sadd.s32 s21, s3  }
0x9d: {  	[timem:s7], [sflag:s22] =	dma.local [hbm:s5], s20  }
0x9e: {  	_ =	swait.ge [sflag:s22], s20  }
0x9f: {  	s4 =	ssub.s32 $0x0, s20;
	[sflag:s22] =	ssyncset.done $0x0  }
0xa0: {  	[sflag:s22] =	ssyncadd.s32 s4;
	_ =	sdelay $0x1  }
0xa1: {  	s23 =	simm.s32 $0x1B8B  }
0xa2: {  	_ =	swait.ge [sflag:s23], $0x1  }
0xa3: {  	[sflag:s23] =	ssyncset.done $0x0  }
0xa4: {  	s25 =	simm.s32 $0x1B8E;
	s24 =	sld [smem:$0x3FFE];
	[sflag:s23] =	ssyncadd.s32 $0xFFFFFFFF  }
0xa5: {  	s26 =	simm.s32 $execute0_lowered;
	[smem:$0x3FD2] =	sst s25  }
0xa6: {  	s5 =	sshll.u32 s26, $0x1;
	_ =	strace $0x80000046;
	[dreg:$0x1] =	wrdreg $0xFFFFFFFF  }
0xa7: {  	s28 =	simm.s32 $_size_execute0_lowered;
	s3 =	sadd.s32 s3, s5;
	[dreg:$0x0] =	wrdreg $0x0  }
0xa8: {  	s5 =	sshll.u32 s28, $0x1;
	[dreg:$0x2] =	wrdreg s3  }
0xa9: {  	[dreg:$0x3] =	wrdreg s5  }
0xaa: {  	[dreg:$0x4] =	wrdreg $0xC0  }
0xab: {  	_ =	task [dreg:s7], $0x5FFFF  }
0xac: {  	[dreg:$0x1] =	wrdreg $0xFFFFFFFF  }
0xad: {  	[dreg:$0x0] =	wrdreg $0x60  }
0xae: {  	[dreg:$0x2] =	wrdreg s2  }
0xaf: {  	[dreg:$0x3] =	wrdreg s24  }
0xb0: {  	[dreg:$0x4] =	wrdreg $0x9  }
0xb1: {  	_ =	task.clear_ibuf [dreg:s7], $0x5FFFF;
	_ =	strace $0x90000046  }
0xb2: {  	s29 =	simm.s32 $0x9;
	_ =	strace $0x80000048  }
0xb3: {  	_ =	swait.ge [sflag:s29], $0x1  }
0xb4: {  	[sflag:s29] =	ssyncadd.s32 $0xFFFFFFFF  }
0xb5: {  	_ =	strace $0x90000048  }
0xb6: {  	_ =	sfence  }
0xb7: {  	s30 =	sld [smem:$0x0];
	_ =	sdelay $0x2  }
0xb8: {  	s31 =	sshll.u32 s1, $0xD;
	s1 =	sshrl.u32 s1, $0x2  }
0xb9: {  	s3 =	sand.u32 $0x4000, s31;
	s1 =	sadd.s32 s1, s30  }
0xba: {  	s0 =	sor.u32 s3, s0;
	s1 =	sshll.u32 s1, $0x11  }
0xbb: {  	s0 =	sor.u32 s1, s0  }
0xbc: {  	s0 =	sadd.s32 $0x8F2B, s0  }
0xbd: {  	[sflag:s0] =	ssyncadd.remote.s32 $0x1  }
0xbe: {  	_ =	sfence.sel $0xFFFF  }
0xbf: {  	[dreg:$0x0] =	wrdreg $0xFFFFFFFF;
	(pc) =	sbr.abs _section_cstart, $3  }
0xc0: {  	[dreg:$0x1] =	wrdreg $0xFFFFFFFF  }
0xc1: {  	_ =	task.clear_ibuf [dreg:s7], $0x2FFFF;
	_ =	strace $0x9FFFFFFF  }
0xc2: {  	(tm) =	ssettm $0x7FFFFFFF  }
0xc3: {  	_ =	shalt  }
tec
execute0_lowered:
.L_overlay_start_1:
0x0: {  	(tag) =	ssettag $0x1  }
0x1: {  	s1 =	srdreg.scid  }
0x2: {  	s0 =	stileid.u32;
	s2 =	rddreg [dreg:$0x0]  }
0x3: {  	s4 =	rddreg [dreg:$0x1];
	s3 =	simm.s32 $0x0;
	s14 =	simm.s32 $0x1  }
0x4: {  	s15 =	simm.s32 $0x2;
	s16 =	simm.s32 $0x1BC8;
	s17 =	simm.s32 $0x0  }
0x5: {  	s7 =	sand.u32 $0x1, s1;
	s1 =	rddreg [dreg:$0x2];
	s10 =	smul.u32 $0x1C0000, s0  }
0x6: {  	s24 =	sshll.u32 s0, $0x1;
	[smem:$0x7FF] =	sst s3;
	s29 =	smul.u32 $0x38000, s0  }
0x7: {  	s11 =	sadd.s32 $0x7800, s4;
	s5 =	sor.u32 s7, s24;
	s12 =	smul.u32 $0xE0000, s7  }
0x8: {  	_ =	strace $0x80000047;
	s9 =	ssub.s32 $0x2, s7;
	s30 =	smul.u32 $0x1C000, s7  }
0x9: {  	s6 =	sshll.u32 s5, $0x7;
	s5 =	smul.u32 $0x380, s5;
	s25 =	sshrl.u32 s9, $0x1  }
0xa: {  	s31 =	sadd.s32 s29, s11;
	s6 =	sor.u32 $0x7E, s6;
	s9 =	ssub.s32 s9, s25  }
0xb: {  	s26 =	sadd.s32 s12, s10;
	s10 =	simm.s32 $0x3;
	s13 =	smul.u32 $0x1C00, s6  }
0xc: {  	s12 =	simm.s32 $0x1C00;
	s8 =	smul.u32 $0x380, s6;
	s5 =	sadd.s32 s5, s4  }
0xd: {  	s4 =	sadd.s32 $0x800, s5;
	s5 =	smax.u32 s9, $0x1;
	s28 =	sshrl.u32 s13, $0x3  }
0xe: {  	s6 =	sadd.s32 s11, s8;
	s8 =	sor.u32 $0x1C00, s26;
	s9 =	sadd.s32 s11, s28  }
0xf: {  	s13 =	simm.s32 $0x3800;
	s8 =	sshrl.u32 s8, $0x3;
	s7 =	sadd.s32 $0x380, s9  }
0x10: {  	s8 =	sadd.s32 s8, s11;
	s9 =	sadd.s32 s30, s31;
	s11 =	simm.s32 $0x32  }
.LBB2_1:
0x11: {  	[tilespmem:s3], [sflag:$0x3] =	stream.linear.gather [hbm4b:s4+s3], $0x1C00, $0x38;
	[tilespmem:$0x5400] =	vst v63  }
0x12: {  	_ =	swait.ge [sflag:s10], $0x1C00  }
0x13: {  	[sflag:s10] =	ssyncset.done $0x0  }
0x14: {  	[sflag:s10] =	ssyncadd.s32 $0xFFFFE400  }
0x15: {  	[tilespmem:s12], [sflag:$0x1] =	stream.indirect.gather [hbm4b:s2+s11], $0x80, s3, s11, $0xb8;
	[tilespmem:$0x5400] =	vst v63  }
0x16: {  	s18 =	simm.s32 $0x38  }
0x17: {  	[tilespmem:s13], [sflag:$0x2] =	stream.indirect.gather [hbm4b:s2+s11], $0x80, s18, s11, $0xb8;
	[tilespmem:$0x5400] =	vst v63  }
0x18: {  	_ =	swait.ge [sflag:s14], $0x1900  }
0x19: {  	[sflag:s14] =	ssyncset.done $0x0  }
0x1a: {  	s29 =	sadd.s32 $0x0, s9;
	[sflag:s14] =	ssyncadd.s32 $0xFFFFE700  }
0x1b: {  	[hbm4b:s29+s3] =	stream.linear.scatter [tilespmem:s12], [sflag:$0x3], $0x1900, $0x38;
	[tilespmem:$0x5400] =	vst v63  }
0x1c: {  	_ =	swait.ge [sflag:s10], $0x1900  }
0x1d: {  	[sflag:s10] =	ssyncset.done $0x0  }
0x1e: {  	s30 =	simm.s32 $0x70;
	[sflag:s10] =	ssyncadd.s32 $0xFFFFE700  }
0x1f: {  	[tilespmem:s12], [sflag:$0x1] =	stream.indirect.gather [hbm4b:s2+s11], $0x80, s30, s11, $0xb8;
	[tilespmem:$0x5400] =	vst v63  }
0x20: {  	_ =	swait.ge [sflag:s15], $0x1900  }
0x21: {  	[sflag:s15] =	ssyncset.done $0x0  }
0x22: {  	s31 =	sadd.s32 $0x0, s8;
	[sflag:s15] =	ssyncadd.s32 $0xFFFFE700  }
0x23: {  	[hbm4b:s31+s3] =	stream.linear.scatter [tilespmem:s13], [sflag:$0x3], $0x1900, $0x38;
	[tilespmem:$0x5400] =	vst v63  }
0x24: {  	s20 =	simm.s32 $0xE00;
	_ =	swait.ge [sflag:s10], $0x1900  }
0x25: {  	s19 =	simm.s32 $0xE0;
	s18 =	simm.s32 $0x700;
	[sflag:s10] =	ssyncset.done $0x0  }
.LBB2_2:
0x26: {  	p0 =	sne.s32 s20, $0x1B200;
	s21 =	sadd.s32 $0xFFFFFFC8, s19;
	[sflag:s10] =	ssyncadd.s32 $0xFFFFE700  }
0x27: {  	[tilespmem:s13], [sflag:$0x2] =	stream.indirect.gather [hbm4b:s2+s11], $0x80, s21, s11, $0xb8;
	[tilespmem:$0x5400] =	vst v63  }
0x28: {  	s21 =	smov.u32 s20;
	s20 =	sadd.s32 $0x700, s20;
	_ =	swait.ge [sflag:s14], $0x1900  }
0x29: {  	[sflag:s14] =	ssyncset.done $0x0  }
0x2a: {  	s22 =	sadd.s32 s18, s9;
	[sflag:s14] =	ssyncadd.s32 $0xFFFFE700  }
0x2b: {  	[hbm4b:s22+s3] =	stream.linear.scatter [tilespmem:s12], [sflag:$0x3], $0x1900, $0x38;
	[tilespmem:$0x5400] =	vst v63  }
0x2c: {  	_ =	swait.ge [sflag:s10], $0x1900  }
0x2d: {  	[sflag:s10] =	ssyncset.done $0x0  }
0x2e: {  	[sflag:s10] =	ssyncadd.s32 $0xFFFFE700  }
0x2f: {  	[tilespmem:s12], [sflag:$0x1] =	stream.indirect.gather [hbm4b:s2+s11], $0x80, s19, s11, $0xb8;
	[tilespmem:$0x5400] =	vst v63  }
0x30: {  	_ =	swait.ge [sflag:s15], $0x1900  }
.Ltmp0:
0x31: {  	[sflag:s15] =	ssyncset.done $0x0;
	(pc) =	sbr.rel @p0 .LBB2_2-.Ltmp0, $4  }
0x32: {  	s22 =	sadd.s32 s18, s8;
	s18 =	smov.u32 s21;
	[sflag:s15] =	ssyncadd.s32 $0xFFFFE700  }
0x33: {  	[hbm4b:s22+s3] =	stream.linear.scatter [tilespmem:s13], [sflag:$0x3], $0x1900, $0x38;
	[tilespmem:$0x5400] =	vst v63  }
0x34: {  	_ =	swait.ge [sflag:s10], $0x1900  }
0x35: {  	s19 =	sadd.s32 $0x70, s19;
	[sflag:s10] =	ssyncset.done $0x0  }
0x36: {  	s20 =	sadd.s32 $0xFFFFFFC8, s19;
	[sflag:s10] =	ssyncadd.s32 $0xFFFFE700  }
0x37: {  	[tilespmem:s13], [sflag:$0x2] =	stream.indirect.gather [hbm4b:s2+s11], $0x80, s20, s11, $0xb8;
	[tilespmem:$0x5400] =	vst v63  }
0x38: {  	_ =	swait.ge [sflag:s14], $0x1900  }
0x39: {  	[sflag:s14] =	ssyncset.done $0x0  }
0x3a: {  	s30 =	sadd.s32 s18, s9;
	[sflag:s14] =	ssyncadd.s32 $0xFFFFE700  }
0x3b: {  	[hbm4b:s30+s3] =	stream.linear.scatter [tilespmem:s12], [sflag:$0x3], $0x1900, $0x38;
	[tilespmem:$0x5400] =	vst v63  }
0x3c: {  	_ =	swait.ge [sflag:s10], $0x1900  }
0x3d: {  	[sflag:s10] =	ssyncset.done $0x0  }
0x3e: {  	[sflag:s10] =	ssyncadd.s32 $0xFFFFE700  }
0x3f: {  	[tilespmem:s12], [sflag:$0x1] =	stream.indirect.gather [hbm4b:s2+s11], $0x80, s19, s11, $0xb8;
	[tilespmem:$0x5400] =	vst v63  }
0x40: {  	_ =	swait.ge [sflag:s15], $0x1900  }
0x41: {  	[sflag:s15] =	ssyncset.done $0x0  }
0x42: {  	s31 =	sadd.s32 s18, s8;
	[sflag:s15] =	ssyncadd.s32 $0xFFFFE700  }
0x43: {  	[hbm4b:s31+s3] =	stream.linear.scatter [tilespmem:s13], [sflag:$0x3], $0x1900, $0x38;
	[tilespmem:$0x5400] =	vst v63  }
0x44: {  	_ =	swait.ge [sflag:s10], $0x1900  }
0x45: {  	[sflag:s10] =	ssyncset.done $0x0  }
0x46: {  	[sflag:s10] =	ssyncadd.s32 $0xFFFFE700  }
0x47: {  	[tilespmem:s13], [sflag:$0x2] =	stream.indirect.gather [hbm4b:s2+s11], $0x80, s16, s11, $0xb8;
	[tilespmem:$0x5400] =	vst v63  }
0x48: {  	_ =	swait.ge [sflag:s14], $0x1900  }
0x49: {  	[sflag:s14] =	ssyncset.done $0x0  }
0x4a: {  	[sflag:s14] =	ssyncadd.s32 $0xFFFFE700  }
0x4b: {  	[hbm4b:s6+s3] =	stream.linear.scatter [tilespmem:s12], [sflag:$0x3], $0x1900, $0x38;
	[tilespmem:$0x5400] =	vst v63  }
0x4c: {  	_ =	swait.ge [sflag:s10], $0x1900  }
0x4d: {  	[sflag:s10] =	ssyncset.done $0x0  }
0x4e: {  	[sflag:s10] =	ssyncadd.s32 $0xFFFFE700  }
0x4f: {  	s17 =	sadd.s32 $0x1, s17;
	_ =	swait.ge [sflag:s15], $0x1900  }
0x50: {  	p0 =	sne.s32 s17, s5;
	[sflag:s15] =	ssyncset.done $0x0  }
.Ltmp1:
0x51: {  	[sflag:s15] =	ssyncadd.s32 $0xFFFFE700;
	(pc) =	sbr.rel @p0 .LBB2_1-.Ltmp1, $4  }
0x52: {  	[hbm4b:s7+s3] =	stream.linear.scatter [tilespmem:s13], [sflag:$0x3], $0x1900, $0x38;
	[tilespmem:$0x5400] =	vst v63  }
0x53: {  	_ =	swait.ge [sflag:s10], $0x1900  }
0x54: {  	[sflag:s10] =	ssyncset.done $0x0  }
0x55: {  	[sflag:s10] =	ssyncadd.s32 $0xFFFFE700  }
0x56: {  	_ =	sfence.sel $0x180000  }
0x57: {  	[bflag:$0x0] =	sbarrier.arrive $0xFFFF  }
0x58: {  	p0 =	sne.s32 s0, $0x0;
	_ =	strace $0x90000047  }
0x59: {  	s0 =	sadd.s32 @!p0 $0x100000, s1;
	[bflag:$0x2] =	sbarrier.arrive $0xFFFF  }
0x5a: {  	[sflag:s0] =	ssyncadd.tile.s32 @!p0 $0x1;
	_ =	shalt  }
.Lfunc_end2:
_tile_overlayer_lowered:
.L_overlay_start_2:
0x5b: {  	(tag) =	ssettag $0x2  }
0x5c: {  	s0 =	rddreg [dreg:$0x0];
	s2 =	stileid.u32  }
0x5d: {  	s1 =	rddreg [dreg:$0x1];
	p0 =	sne.s32 s2, $0x0  }
0x5e: {  	s3 =	rddreg [dreg:$0x2];
	[bflag:$0x3] =	sbarrier.arrive $0xFFFF;
	s2 =	simm.s32 @!p0 $0x1C03  }
0x5f: {  	[timem:s3], [sflag:s2] =	dma.local @!p0 [hbm:s0], s1  }
0x60: {  	s0 =	simm.s32 @!p0 $0x3  }
0x61: {  	_ =	swait.ge @!p0 [sflag:s0], s1  }
0x62: {  	s1 =	ssub.s32 @!p0 $0x0, s1;
	[sflag:s0] =	ssyncset.done @!p0 $0x0  }
0x63: {  	[sflag:s0] =	ssyncadd.s32 @!p0 s1  }
0x64: {  	[bflag:$0x3] =	sbarrier.arrive $0xFFFF  }
0x65: {  	_ =	shalt  }

</sc_bundles>
